<compile_context>
chip_gen: v7x
topology: tpu7x:2x2x1
jax: 0.10.2.dev20260603
libtpu: 0.0.44.dev20260713+nightly
codegen_flags: <defaults>
</compile_context>

<pallas_src>
import functools

import jax
import jax.numpy as jnp
from jax import lax
from jax.experimental import pallas as pl
from jax.experimental.pallas import tpu as pltpu
from jax.experimental.pallas import tpu_sc as plsc

_B = 128
_V = 1000
_L = 16
_NCH = _B // _L
_HPAD = ((_V + _L - 1) // _L) * _L


def _tec_body(inp_hbm, tgt_hbm, out_hbm, tgt_v, idx_v, picked_v, hist_v,
              out_v, sem):
    pltpu.sync_copy(tgt_hbm, tgt_v)

    zeros = jnp.zeros((_L,), jnp.float32)
    ones = jnp.ones((_L,), jnp.float32)
    iota = lax.iota(jnp.int32, _L)
    for k in range(_NCH):
        t = tgt_v[pl.ds(k * _L, _L)]
        plsc.store_scatter(hist_v, [t], zeros)
        idx_v[pl.ds(k * _L, _L)] = t + (iota + k * _L) * _V

    cp = pltpu.async_copy(inp_hbm.at[idx_v], picked_v, sem)
    for k in range(_NCH):
        t = tgt_v[pl.ds(k * _L, _L)]
        plsc.addupdate_scatter(hist_v, [t], ones)
    cp.wait()

    num = jnp.zeros((_L,), jnp.float32)
    den = jnp.zeros((_L,), jnp.float32)
    for k in range(_NCH):
        t = tgt_v[pl.ds(k * _L, _L)]
        wt = plsc.load_gather(hist_v, [t])
        num = num + wt * picked_v[pl.ds(k * _L, _L)]
        den = den + wt

    n_v = jnp.broadcast_to(jnp.sum(num), (_L,))
    d_v = jnp.broadcast_to(jnp.sum(den), (_L,))
    out_v[...] = -(n_v / d_v)
    pltpu.sync_copy(out_v, out_hbm)


_negloss_sc = functools.partial(
    pl.kernel,
    out_type=jax.ShapeDtypeStruct((_L,), jnp.float32),
    mesh=plsc.VectorSubcoreMesh(core_axis_name="c", subcore_axis_name="s",
                                num_cores=1, num_subcores=1),
    compiler_params=pltpu.CompilerParams(
        needs_layout_passes=False,
        disable_bounds_checks=True,
        disable_semaphore_checks=True,
    ),
    scratch_types=[
        pltpu.VMEM((_B,), jnp.int32),
        pltpu.VMEM((_B,), jnp.int32),
        pltpu.VMEM((_B,), jnp.float32),
        pltpu.VMEM((_HPAD,), jnp.float32),
        pltpu.VMEM((_L,), jnp.float32),
        pltpu.SemaphoreType.DMA,
    ],
)(_tec_body)


def kernel(input, target, distr):
    del distr
    out = _negloss_sc(input.reshape(-1), target)
    return out[0]

# --- scband reference (transcript-rebuilt; emitter-appended) ---
"""Pipeline reference for scband-negloss-8358006358140 (READ-ONLY COPY).

The authoritative reference and input builder live on the scoring server;
editing this copy changes nothing except your own understanding.
"""

import jax, jax.numpy as jnp
import numpy as np

NUM_WORDS = 1000
BATCH = 128
NUM_NEG = 5


def setup_inputs(seed: int = 0) -> dict:
    key = jax.random.key(seed)
    k1, k2 = jax.random.split(key)
    inp = jax.random.normal(k1, (BATCH, NUM_WORDS), dtype=jnp.float32)
    target = jax.random.randint(k2, (BATCH,), 0, NUM_WORDS, dtype=jnp.int32)
    # buffer: distr = L2-normalize(word_freqs ** 0.75); freqs are uniform (all 1.0) per init_kwargs
    word_freqs = jnp.ones((NUM_WORDS,), dtype=jnp.float32)
    d = jnp.power(word_freqs, 0.75)
    distr = d / jnp.sqrt(jnp.sum(d * d))
    return {"input": inp, "target": target, "distr": distr}


def _sample_weights(distr, target):
    # weights[w] += 1.0 for every positive occurrence in target (scatter-add)
    weights = jnp.zeros((NUM_WORDS,), dtype=jnp.float32).at[target].add(1.0)
    # the torch loop 'resample while w in positives' is distributionally identical to
    # sampling from distr with the positive entries zeroed out (rejection sampling)
    masked = distr.at[target].set(0.0)
    logits = jnp.where(masked > 0, jnp.log(jnp.maximum(masked, 1e-30)), -jnp.inf)
    samples = jax.random.categorical(jax.random.key(42), logits, shape=(NUM_NEG,))
    # weights[w] += 1.0 for each of the num_negative_samples draws (with replacement)
    weights = weights.at[samples].add(1.0)
    return weights


def reference(input, target, distr):
    w = _sample_weights(distr, target)
    # F.nll_loss(input, target, weight=w), reduction='mean':
    # loss = -sum_i w[t_i] * input[i, t_i] / sum_i w[t_i]
    wt = jnp.take(w, target)
    picked = jnp.take_along_axis(input, target[:, None], axis=1)[:, 0]
    loss = -jnp.sum(wt * picked) / jnp.sum(wt)
    return loss

if __name__ == "__main__":
    import jax
    _d = setup_inputs()
    print(jax.jit(kernel)(*tuple(_d.values())))

</pallas_src>

<mosaic_0001>
#map = affine_map<(d0, d1) -> (0)>
module attributes {stable_mosaic.version = 14 : i64} {
  func.func @_tec_body(%arg0: i32, %arg1: i32, %arg2: memref<128000xf32, #tpu.memory_space<hbm>>, %arg3: memref<128xi32, #tpu.memory_space<hbm>>, %arg4: memref<16xf32, #tpu.memory_space<hbm>>, %arg5: memref<128xi32, #tpu.memory_space<vmem>>, %arg6: memref<128xi32, #tpu.memory_space<vmem>>, %arg7: memref<128xf32, #tpu.memory_space<vmem>>, %arg8: memref<1008xf32, #tpu.memory_space<vmem>>, %arg9: memref<16xf32, #tpu.memory_space<vmem>>, %arg10: memref<!tpu.dma_semaphore, #tpu.memory_space<semaphore_mem>>) attributes {dimension_semantics = [#tpu.dimension_semantics<core_parallel>, #tpu.dimension_semantics<subcore_parallel>], iteration_bounds = array<i64: 1, 1>, scalar_prefetch = 0 : i64, scratch_operands = 6 : i64, tpu.core_type = #tpu.core_type<sc_vector_subcore>, window_params = [{transform_indices = #map}, {transform_indices = #map}, {transform_indices = #map}]} {
    "tpu.region"() ({
      %run_scoped3A = tpu.sem_alloc : memref<!tpu.dma_semaphore, #tpu.memory_space<semaphore_mem>>
      tpu.enqueue_dma source(%arg3 : memref<128xi32, #tpu.memory_space<hbm>>) target(%arg5 : memref<128xi32, #tpu.memory_space<vmem>>) target_semaphore(%run_scoped3A : memref<!tpu.dma_semaphore, #tpu.memory_space<semaphore_mem>>)
      tpu.wait_dma2 semaphore(%run_scoped3A : memref<!tpu.dma_semaphore, #tpu.memory_space<semaphore_mem>>) src(%arg3 : memref<128xi32, #tpu.memory_space<hbm>>) dst(%arg5 : memref<128xi32, #tpu.memory_space<vmem>>)
      tpu.yield
    }) : () -> ()
    %broadcast_in_dim3A = arith.constant 0.000000e+00 : f32
    %broadcast_in_dim3A_0 = vector.broadcast %broadcast_in_dim3A : f32 to vector<16xf32>
    %broadcast_in_dim3A_1 = arith.constant 1.000000e+00 : f32
    %broadcast_in_dim3A_2 = vector.broadcast %broadcast_in_dim3A_1 : f32 to vector<16xf32>
    %iota3A = tpu.iota {dimensions = array<i32: 0>} : vector<16xi32>
    %get3A = arith.constant 0 : index
    %get3A_3 = tpu.vector_load %arg5[%get3A] {strides = array<i32>} : memref<128xi32, #tpu.memory_space<vmem>>, vector<16xi32>,
    tpu.vector_store_idx %arg8[%get3A_3], %broadcast_in_dim3A_0 : memref<1008xf32, #tpu.memory_space<vmem>>[vector<16xi32>], vector<16xf32>,
    %add3A = arith.constant 0 : i32
    %add3A_4 = vector.broadcast %add3A : i32 to vector<16xi32>
    %add3A_5 = arith.addi %iota3A, %add3A_4 : vector<16xi32>
    %mul3A = arith.constant 1000 : i32
    %mul3A_6 = vector.broadcast %mul3A : i32 to vector<16xi32>
    %mul3A_7 = arith.muli %add3A_5, %mul3A_6 : vector<16xi32>
    %add3A_8 = arith.addi %get3A_3, %mul3A_7 : vector<16xi32>
    %swap3A = arith.constant 0 : index
    %swap3A_9 = tpu.vector_load %arg6[%swap3A] {strides = array<i32>} : memref<128xi32, #tpu.memory_space<vmem>>, vector<16xi32>,
    tpu.vector_store %arg6[%swap3A], %add3A_8 {strides = array<i32>} : memref<128xi32, #tpu.memory_space<vmem>>, vector<16xi32>,
    %get3A_10 = arith.constant 16 : index
    %get3A_11 = tpu.vector_load %arg5[%get3A_10] {strides = array<i32>} : memref<128xi32, #tpu.memory_space<vmem>>, vector<16xi32>,
    tpu.vector_store_idx %arg8[%get3A_11], %broadcast_in_dim3A_0 : memref<1008xf32, #tpu.memory_space<vmem>>[vector<16xi32>], vector<16xf32>,
    %add3A_12 = arith.constant 16 : i32
    %add3A_13 = vector.broadcast %add3A_12 : i32 to vector<16xi32>
    %add3A_14 = arith.addi %iota3A, %add3A_13 : vector<16xi32>
    %mul3A_15 = arith.constant 1000 : i32
    %mul3A_16 = vector.broadcast %mul3A_15 : i32 to vector<16xi32>
    %mul3A_17 = arith.muli %add3A_14, %mul3A_16 : vector<16xi32>
    %add3A_18 = arith.addi %get3A_11, %mul3A_17 : vector<16xi32>
    %swap3A_19 = arith.constant 16 : index
    %swap3A_20 = tpu.vector_load %arg6[%swap3A_19] {strides = array<i32>} : memref<128xi32, #tpu.memory_space<vmem>>, vector<16xi32>,
    tpu.vector_store %arg6[%swap3A_19], %add3A_18 {strides = array<i32>} : memref<128xi32, #tpu.memory_space<vmem>>, vector<16xi32>,
    %get3A_21 = arith.constant 32 : index
    %get3A_22 = tpu.vector_load %arg5[%get3A_21] {strides = array<i32>} : memref<128xi32, #tpu.memory_space<vmem>>, vector<16xi32>,
    tpu.vector_store_idx %arg8[%get3A_22], %broadcast_in_dim3A_0 : memref<1008xf32, #tpu.memory_space<vmem>>[vector<16xi32>], vector<16xf32>,
    %add3A_23 = arith.constant 32 : i32
    %add3A_24 = vector.broadcast %add3A_23 : i32 to vector<16xi32>
    %add3A_25 = arith.addi %iota3A, %add3A_24 : vector<16xi32>
    %mul3A_26 = arith.constant 1000 : i32
    %mul3A_27 = vector.broadcast %mul3A_26 : i32 to vector<16xi32>
    %mul3A_28 = arith.muli %add3A_25, %mul3A_27 : vector<16xi32>
    %add3A_29 = arith.addi %get3A_22, %mul3A_28 : vector<16xi32>
    %swap3A_30 = arith.constant 32 : index
    %swap3A_31 = tpu.vector_load %arg6[%swap3A_30] {strides = array<i32>} : memref<128xi32, #tpu.memory_space<vmem>>, vector<16xi32>,
    tpu.vector_store %arg6[%swap3A_30], %add3A_29 {strides = array<i32>} : memref<128xi32, #tpu.memory_space<vmem>>, vector<16xi32>,
    %get3A_32 = arith.constant 48 : index
    %get3A_33 = tpu.vector_load %arg5[%get3A_32] {strides = array<i32>} : memref<128xi32, #tpu.memory_space<vmem>>, vector<16xi32>,
    tpu.vector_store_idx %arg8[%get3A_33], %broadcast_in_dim3A_0 : memref<1008xf32, #tpu.memory_space<vmem>>[vector<16xi32>], vector<16xf32>,
    %add3A_34 = arith.constant 48 : i32
    %add3A_35 = vector.broadcast %add3A_34 : i32 to vector<16xi32>
    %add3A_36 = arith.addi %iota3A, %add3A_35 : vector<16xi32>
    %mul3A_37 = arith.constant 1000 : i32
    %mul3A_38 = vector.broadcast %mul3A_37 : i32 to vector<16xi32>
    %mul3A_39 = arith.muli %add3A_36, %mul3A_38 : vector<16xi32>
    %add3A_40 = arith.addi %get3A_33, %mul3A_39 : vector<16xi32>
    %swap3A_41 = arith.constant 48 : index
    %swap3A_42 = tpu.vector_load %arg6[%swap3A_41] {strides = array<i32>} : memref<128xi32, #tpu.memory_space<vmem>>, vector<16xi32>,
    tpu.vector_store %arg6[%swap3A_41], %add3A_40 {strides = array<i32>} : memref<128xi32, #tpu.memory_space<vmem>>, vector<16xi32>,
    %get3A_43 = arith.constant 64 : index
    %get3A_44 = tpu.vector_load %arg5[%get3A_43] {strides = array<i32>} : memref<128xi32, #tpu.memory_space<vmem>>, vector<16xi32>,
    tpu.vector_store_idx %arg8[%get3A_44], %broadcast_in_dim3A_0 : memref<1008xf32, #tpu.memory_space<vmem>>[vector<16xi32>], vector<16xf32>,
    %add3A_45 = arith.constant 64 : i32
    %add3A_46 = vector.broadcast %add3A_45 : i32 to vector<16xi32>
    %add3A_47 = arith.addi %iota3A, %add3A_46 : vector<16xi32>
    %mul3A_48 = arith.constant 1000 : i32
    %mul3A_49 = vector.broadcast %mul3A_48 : i32 to vector<16xi32>
    %mul3A_50 = arith.muli %add3A_47, %mul3A_49 : vector<16xi32>
    %add3A_51 = arith.addi %get3A_44, %mul3A_50 : vector<16xi32>
    %swap3A_52 = arith.constant 64 : index
    %swap3A_53 = tpu.vector_load %arg6[%swap3A_52] {strides = array<i32>} : memref<128xi32, #tpu.memory_space<vmem>>, vector<16xi32>,
    tpu.vector_store %arg6[%swap3A_52], %add3A_51 {strides = array<i32>} : memref<128xi32, #tpu.memory_space<vmem>>, vector<16xi32>,
    %get3A_54 = arith.constant 80 : index
    %get3A_55 = tpu.vector_load %arg5[%get3A_54] {strides = array<i32>} : memref<128xi32, #tpu.memory_space<vmem>>, vector<16xi32>,
    tpu.vector_store_idx %arg8[%get3A_55], %broadcast_in_dim3A_0 : memref<1008xf32, #tpu.memory_space<vmem>>[vector<16xi32>], vector<16xf32>,
    %add3A_56 = arith.constant 80 : i32
    %add3A_57 = vector.broadcast %add3A_56 : i32 to vector<16xi32>
    %add3A_58 = arith.addi %iota3A, %add3A_57 : vector<16xi32>
    %mul3A_59 = arith.constant 1000 : i32
    %mul3A_60 = vector.broadcast %mul3A_59 : i32 to vector<16xi32>
    %mul3A_61 = arith.muli %add3A_58, %mul3A_60 : vector<16xi32>
    %add3A_62 = arith.addi %get3A_55, %mul3A_61 : vector<16xi32>
    %swap3A_63 = arith.constant 80 : index
    %swap3A_64 = tpu.vector_load %arg6[%swap3A_63] {strides = array<i32>} : memref<128xi32, #tpu.memory_space<vmem>>, vector<16xi32>,
    tpu.vector_store %arg6[%swap3A_63], %add3A_62 {strides = array<i32>} : memref<128xi32, #tpu.memory_space<vmem>>, vector<16xi32>,
    %get3A_65 = arith.constant 96 : index
    %get3A_66 = tpu.vector_load %arg5[%get3A_65] {strides = array<i32>} : memref<128xi32, #tpu.memory_space<vmem>>, vector<16xi32>,
    tpu.vector_store_idx %arg8[%get3A_66], %broadcast_in_dim3A_0 : memref<1008xf32, #tpu.memory_space<vmem>>[vector<16xi32>], vector<16xf32>,
    %add3A_67 = arith.constant 96 : i32
    %add3A_68 = vector.broadcast %add3A_67 : i32 to vector<16xi32>
    %add3A_69 = arith.addi %iota3A, %add3A_68 : vector<16xi32>
    %mul3A_70 = arith.constant 1000 : i32
    %mul3A_71 = vector.broadcast %mul3A_70 : i32 to vector<16xi32>
    %mul3A_72 = arith.muli %add3A_69, %mul3A_71 : vector<16xi32>
    %add3A_73 = arith.addi %get3A_66, %mul3A_72 : vector<16xi32>
    %swap3A_74 = arith.constant 96 : index
    %swap3A_75 = tpu.vector_load %arg6[%swap3A_74] {strides = array<i32>} : memref<128xi32, #tpu.memory_space<vmem>>, vector<16xi32>,
    tpu.vector_store %arg6[%swap3A_74], %add3A_73 {strides = array<i32>} : memref<128xi32, #tpu.memory_space<vmem>>, vector<16xi32>,
    %get3A_76 = arith.constant 112 : index
    %get3A_77 = tpu.vector_load %arg5[%get3A_76] {strides = array<i32>} : memref<128xi32, #tpu.memory_space<vmem>>, vector<16xi32>,
    tpu.vector_store_idx %arg8[%get3A_77], %broadcast_in_dim3A_0 : memref<1008xf32, #tpu.memory_space<vmem>>[vector<16xi32>], vector<16xf32>,
    %add3A_78 = arith.constant 112 : i32
    %add3A_79 = vector.broadcast %add3A_78 : i32 to vector<16xi32>
    %add3A_80 = arith.addi %iota3A, %add3A_79 : vector<16xi32>
    %mul3A_81 = arith.constant 1000 : i32
    %mul3A_82 = vector.broadcast %mul3A_81 : i32 to vector<16xi32>
    %mul3A_83 = arith.muli %add3A_80, %mul3A_82 : vector<16xi32>
    %add3A_84 = arith.addi %get3A_77, %mul3A_83 : vector<16xi32>
    %swap3A_85 = arith.constant 112 : index
    %swap3A_86 = tpu.vector_load %arg6[%swap3A_85] {strides = array<i32>} : memref<128xi32, #tpu.memory_space<vmem>>, vector<16xi32>,
    tpu.vector_store %arg6[%swap3A_85], %add3A_84 {strides = array<i32>} : memref<128xi32, #tpu.memory_space<vmem>>, vector<16xi32>,
    %dma_start3A = arith.constant 0 : i32
    %dma_start3A_87 = tpu.memref_slice %arg2[%dma_start3A] : memref<128000xf32, #tpu.memory_space<hbm>> -> memref<128000xf32, #tpu.memory_space<hbm>>
    tpu.enqueue_indirect_dma source(%dma_start3A_87 : memref<128000xf32, #tpu.memory_space<hbm>>) target(%arg7 : memref<128xf32, #tpu.memory_space<vmem>>) offsets(%arg6 : memref<128xi32, #tpu.memory_space<vmem>>) semaphore(%arg10 : memref<!tpu.dma_semaphore, #tpu.memory_space<semaphore_mem>>)
    %get3A_88 = arith.constant 0 : index
    %get3A_89 = tpu.vector_load %arg5[%get3A_88] {strides = array<i32>} : memref<128xi32, #tpu.memory_space<vmem>>, vector<16xi32>,
    tpu.vector_store_idx %arg8[%get3A_89], %broadcast_in_dim3A_2 {add = true} : memref<1008xf32, #tpu.memory_space<vmem>>[vector<16xi32>], vector<16xf32>,
    %get3A_90 = arith.constant 16 : index
    %get3A_91 = tpu.vector_load %arg5[%get3A_90] {strides = array<i32>} : memref<128xi32, #tpu.memory_space<vmem>>, vector<16xi32>,
    tpu.vector_store_idx %arg8[%get3A_91], %broadcast_in_dim3A_2 {add = true} : memref<1008xf32, #tpu.memory_space<vmem>>[vector<16xi32>], vector<16xf32>,
    %get3A_92 = arith.constant 32 : index
    %get3A_93 = tpu.vector_load %arg5[%get3A_92] {strides = array<i32>} : memref<128xi32, #tpu.memory_space<vmem>>, vector<16xi32>,
    tpu.vector_store_idx %arg8[%get3A_93], %broadcast_in_dim3A_2 {add = true} : memref<1008xf32, #tpu.memory_space<vmem>>[vector<16xi32>], vector<16xf32>,
    %get3A_94 = arith.constant 48 : index
    %get3A_95 = tpu.vector_load %arg5[%get3A_94] {strides = array<i32>} : memref<128xi32, #tpu.memory_space<vmem>>, vector<16xi32>,
    tpu.vector_store_idx %arg8[%get3A_95], %broadcast_in_dim3A_2 {add = true} : memref<1008xf32, #tpu.memory_space<vmem>>[vector<16xi32>], vector<16xf32>,
    %get3A_96 = arith.constant 64 : index
    %get3A_97 = tpu.vector_load %arg5[%get3A_96] {strides = array<i32>} : memref<128xi32, #tpu.memory_space<vmem>>, vector<16xi32>,
    tpu.vector_store_idx %arg8[%get3A_97], %broadcast_in_dim3A_2 {add = true} : memref<1008xf32, #tpu.memory_space<vmem>>[vector<16xi32>], vector<16xf32>,
    %get3A_98 = arith.constant 80 : index
    %get3A_99 = tpu.vector_load %arg5[%get3A_98] {strides = array<i32>} : memref<128xi32, #tpu.memory_space<vmem>>, vector<16xi32>,
    tpu.vector_store_idx %arg8[%get3A_99], %broadcast_in_dim3A_2 {add = true} : memref<1008xf32, #tpu.memory_space<vmem>>[vector<16xi32>], vector<16xf32>,
    %get3A_100 = arith.constant 96 : index
    %get3A_101 = tpu.vector_load %arg5[%get3A_100] {strides = array<i32>} : memref<128xi32, #tpu.memory_space<vmem>>, vector<16xi32>,
    tpu.vector_store_idx %arg8[%get3A_101], %broadcast_in_dim3A_2 {add = true} : memref<1008xf32, #tpu.memory_space<vmem>>[vector<16xi32>], vector<16xf32>,
    %get3A_102 = arith.constant 112 : index
    %get3A_103 = tpu.vector_load %arg5[%get3A_102] {strides = array<i32>} : memref<128xi32, #tpu.memory_space<vmem>>, vector<16xi32>,
    tpu.vector_store_idx %arg8[%get3A_103], %broadcast_in_dim3A_2 {add = true} : memref<1008xf32, #tpu.memory_space<vmem>>[vector<16xi32>], vector<16xf32>,
    %dma_wait3A = arith.constant 0 : i32
    %dma_wait3A_104 = tpu.memref_slice %arg2[%dma_wait3A] : memref<128000xf32, #tpu.memory_space<hbm>> -> memref<128000xf32, #tpu.memory_space<hbm>>
    tpu.wait_indirect_dma semaphore(%arg10 : memref<!tpu.dma_semaphore, #tpu.memory_space<semaphore_mem>>) src(%dma_wait3A_104 : memref<128000xf32, #tpu.memory_space<hbm>>) dst(%arg7 : memref<128xf32, #tpu.memory_space<vmem>>)
    %broadcast_in_dim3A_105 = arith.constant 0.000000e+00 : f32
    %broadcast_in_dim3A_106 = vector.broadcast %broadcast_in_dim3A_105 : f32 to vector<16xf32>
    %broadcast_in_dim3A_107 = arith.constant 0.000000e+00 : f32
    %broadcast_in_dim3A_108 = vector.broadcast %broadcast_in_dim3A_107 : f32 to vector<16xf32>
    %get3A_109 = arith.constant 0 : index
    %get3A_110 = tpu.vector_load %arg5[%get3A_109] {strides = array<i32>} : memref<128xi32, #tpu.memory_space<vmem>>, vector<16xi32>,
    %gather3A = tpu.vector_load_idx %arg8[%get3A_110] : memref<1008xf32, #tpu.memory_space<vmem>>[vector<16xi32>], vector<16xf32>,
    %get3A_111 = arith.constant 0 : index
    %get3A_112 = tpu.vector_load %arg7[%get3A_111] {strides = array<i32>} : memref<128xf32, #tpu.memory_space<vmem>>, vector<16xf32>,
    %mul3A_113 = arith.mulf %gather3A, %get3A_112 : vector<16xf32>
    %add3A_114 = arith.addf %broadcast_in_dim3A_106, %mul3A_113 : vector<16xf32>
    %add3A_115 = arith.addf %broadcast_in_dim3A_108, %gather3A : vector<16xf32>
    %get3A_116 = arith.constant 16 : index
    %get3A_117 = tpu.vector_load %arg5[%get3A_116] {strides = array<i32>} : memref<128xi32, #tpu.memory_space<vmem>>, vector<16xi32>,
    %gather3A_118 = tpu.vector_load_idx %arg8[%get3A_117] : memref<1008xf32, #tpu.memory_space<vmem>>[vector<16xi32>], vector<16xf32>,
    %get3A_119 = arith.constant 16 : index
    %get3A_120 = tpu.vector_load %arg7[%get3A_119] {strides = array<i32>} : memref<128xf32, #tpu.memory_space<vmem>>, vector<16xf32>,
    %mul3A_121 = arith.mulf %gather3A_118, %get3A_120 : vector<16xf32>
    %add3A_122 = arith.addf %add3A_114, %mul3A_121 : vector<16xf32>
    %add3A_123 = arith.addf %add3A_115, %gather3A_118 : vector<16xf32>
    %get3A_124 = arith.constant 32 : index
    %get3A_125 = tpu.vector_load %arg5[%get3A_124] {strides = array<i32>} : memref<128xi32, #tpu.memory_space<vmem>>, vector<16xi32>,
    %gather3A_126 = tpu.vector_load_idx %arg8[%get3A_125] : memref<1008xf32, #tpu.memory_space<vmem>>[vector<16xi32>], vector<16xf32>,
    %get3A_127 = arith.constant 32 : index
    %get3A_128 = tpu.vector_load %arg7[%get3A_127] {strides = array<i32>} : memref<128xf32, #tpu.memory_space<vmem>>, vector<16xf32>,
    %mul3A_129 = arith.mulf %gather3A_126, %get3A_128 : vector<16xf32>
    %add3A_130 = arith.addf %add3A_122, %mul3A_129 : vector<16xf32>
    %add3A_131 = arith.addf %add3A_123, %gather3A_126 : vector<16xf32>
    %get3A_132 = arith.constant 48 : index
    %get3A_133 = tpu.vector_load %arg5[%get3A_132] {strides = array<i32>} : memref<128xi32, #tpu.memory_space<vmem>>, vector<16xi32>,
    %gather3A_134 = tpu.vector_load_idx %arg8[%get3A_133] : memref<1008xf32, #tpu.memory_space<vmem>>[vector<16xi32>], vector<16xf32>,
    %get3A_135 = arith.constant 48 : index
    %get3A_136 = tpu.vector_load %arg7[%get3A_135] {strides = array<i32>} : memref<128xf32, #tpu.memory_space<vmem>>, vector<16xf32>,
    %mul3A_137 = arith.mulf %gather3A_134, %get3A_136 : vector<16xf32>
    %add3A_138 = arith.addf %add3A_130, %mul3A_137 : vector<16xf32>
    %add3A_139 = arith.addf %add3A_131, %gather3A_134 : vector<16xf32>
    %get3A_140 = arith.constant 64 : index
    %get3A_141 = tpu.vector_load %arg5[%get3A_140] {strides = array<i32>} : memref<128xi32, #tpu.memory_space<vmem>>, vector<16xi32>,
    %gather3A_142 = tpu.vector_load_idx %arg8[%get3A_141] : memref<1008xf32, #tpu.memory_space<vmem>>[vector<16xi32>], vector<16xf32>,
    %get3A_143 = arith.constant 64 : index
    %get3A_144 = tpu.vector_load %arg7[%get3A_143] {strides = array<i32>} : memref<128xf32, #tpu.memory_space<vmem>>, vector<16xf32>,
    %mul3A_145 = arith.mulf %gather3A_142, %get3A_144 : vector<16xf32>
    %add3A_146 = arith.addf %add3A_138, %mul3A_145 : vector<16xf32>
    %add3A_147 = arith.addf %add3A_139, %gather3A_142 : vector<16xf32>
    %get3A_148 = arith.constant 80 : index
    %get3A_149 = tpu.vector_load %arg5[%get3A_148] {strides = array<i32>} : memref<128xi32, #tpu.memory_space<vmem>>, vector<16xi32>,
    %gather3A_150 = tpu.vector_load_idx %arg8[%get3A_149] : memref<1008xf32, #tpu.memory_space<vmem>>[vector<16xi32>], vector<16xf32>,
    %get3A_151 = arith.constant 80 : index
    %get3A_152 = tpu.vector_load %arg7[%get3A_151] {strides = array<i32>} : memref<128xf32, #tpu.memory_space<vmem>>, vector<16xf32>,
    %mul3A_153 = arith.mulf %gather3A_150, %get3A_152 : vector<16xf32>
    %add3A_154 = arith.addf %add3A_146, %mul3A_153 : vector<16xf32>
    %add3A_155 = arith.addf %add3A_147, %gather3A_150 : vector<16xf32>
    %get3A_156 = arith.constant 96 : index
    %get3A_157 = tpu.vector_load %arg5[%get3A_156] {strides = array<i32>} : memref<128xi32, #tpu.memory_space<vmem>>, vector<16xi32>,
    %gather3A_158 = tpu.vector_load_idx %arg8[%get3A_157] : memref<1008xf32, #tpu.memory_space<vmem>>[vector<16xi32>], vector<16xf32>,
    %get3A_159 = arith.constant 96 : index
    %get3A_160 = tpu.vector_load %arg7[%get3A_159] {strides = array<i32>} : memref<128xf32, #tpu.memory_space<vmem>>, vector<16xf32>,
    %mul3A_161 = arith.mulf %gather3A_158, %get3A_160 : vector<16xf32>
    %add3A_162 = arith.addf %add3A_154, %mul3A_161 : vector<16xf32>
    %add3A_163 = arith.addf %add3A_155, %gather3A_158 : vector<16xf32>
    %get3A_164 = arith.constant 112 : index
    %get3A_165 = tpu.vector_load %arg5[%get3A_164] {strides = array<i32>} : memref<128xi32, #tpu.memory_space<vmem>>, vector<16xi32>,
    %gather3A_166 = tpu.vector_load_idx %arg8[%get3A_165] : memref<1008xf32, #tpu.memory_space<vmem>>[vector<16xi32>], vector<16xf32>,
    %get3A_167 = arith.constant 112 : index
    %get3A_168 = tpu.vector_load %arg7[%get3A_167] {strides = array<i32>} : memref<128xf32, #tpu.memory_space<vmem>>, vector<16xf32>,
    %mul3A_169 = arith.mulf %gather3A_166, %get3A_168 : vector<16xf32>
    %add3A_170 = arith.addf %add3A_162, %mul3A_169 : vector<16xf32>
    %add3A_171 = arith.addf %add3A_163, %gather3A_166 : vector<16xf32>
    %reduce_sum3A = arith.constant true
    %reduce_sum3A_172 = vector.broadcast %reduce_sum3A : i1 to vector<16xi1>
    %reduce_sum3A_173 = tpu.scan <sum>, %add3A_170 masked %reduce_sum3A_172 : vector<16xf32>, vector<16xi1> -> vector<16xf32>
    %reduce_sum3A_174 = vector.extract %reduce_sum3A_173[15] : f32 from vector<16xf32>
    %broadcast_in_dim3A_175 = vector.broadcast %reduce_sum3A_174 : f32 to vector<16xf32>
    %reduce_sum3A_176 = arith.constant true
    %reduce_sum3A_177 = vector.broadcast %reduce_sum3A_176 : i1 to vector<16xi1>
    %reduce_sum3A_178 = tpu.scan <sum>, %add3A_171 masked %reduce_sum3A_177 : vector<16xf32>, vector<16xi1> -> vector<16xf32>
    %reduce_sum3A_179 = vector.extract %reduce_sum3A_178[15] : f32 from vector<16xf32>
    %broadcast_in_dim3A_180 = vector.broadcast %reduce_sum3A_179 : f32 to vector<16xf32>
    %div3A = arith.divf %broadcast_in_dim3A_175, %broadcast_in_dim3A_180 : vector<16xf32>
    %neg3A = arith.constant 0.000000e+00 : f32
    %neg3A_181 = vector.broadcast %neg3A : f32 to vector<16xf32>
    %neg3A_182 = arith.subf %neg3A_181, %div3A : vector<16xf32>
    %swap3A_183 = arith.constant 0 : index
    %swap3A_184 = tpu.vector_load %arg9[%swap3A_183] {strides = array<i32>} : memref<16xf32, #tpu.memory_space<vmem>>, vector<16xf32>,
    tpu.vector_store %arg9[%swap3A_183], %neg3A_182 {strides = array<i32>} : memref<16xf32, #tpu.memory_space<vmem>>, vector<16xf32>,
    "tpu.region"() ({
      %run_scoped3A = tpu.sem_alloc : memref<!tpu.dma_semaphore, #tpu.memory_space<semaphore_mem>>
      tpu.enqueue_dma source(%arg9 : memref<16xf32, #tpu.memory_space<vmem>>) target(%arg4 : memref<16xf32, #tpu.memory_space<hbm>>) target_semaphore(%run_scoped3A : memref<!tpu.dma_semaphore, #tpu.memory_space<semaphore_mem>>)
      tpu.wait_dma2 semaphore(%run_scoped3A : memref<!tpu.dma_semaphore, #tpu.memory_space<semaphore_mem>>) src(%arg9 : memref<16xf32, #tpu.memory_space<vmem>>) dst(%arg4 : memref<16xf32, #tpu.memory_space<hbm>>)
      tpu.yield
    }) : () -> ()
    return
  }
}

</mosaic_0001>

<sc_bundles>
// kernel: kernel.3.cloned.1.call-start
scs
__scs_entry_jumppad:
0x0: {  	(pc) =	sbr.rel $0x88, $3  }
0x1: {  	(tag) =	ssettag $0x0;
	lr =	simm.s32 $0x1  }
0x2: {  	[smem:$0x3F9F] =	sst lr;
	_ =	strace $0xD0000000  }
0x3: {  	_ = 	snop  }
0x4: {  	_ = 	snop  }
0x5: {  	_ = 	snop  }
0x6: {  	_ = 	snop  }
0x7: {  	_ = 	snop  }
__scs_overlays_trampoline_lowered:
0x8: {  	[smem:$0x3FAE] =	sst s0  }
0x9: {  	[smem:$0x3FAF] =	sst s1  }
0xa: {  	[smem:$0x3FB0] =	sst s2  }
0xb: {  	[smem:$0x3FB1] =	sst s3  }
0xc: {  	[smem:$0x3FB2] =	sst s4  }
0xd: {  	[smem:$0x3FB3] =	sst s5  }
0xe: {  	[smem:$0x3FB4] =	sst s6  }
0xf: {  	[smem:$0x3FB5] =	sst s7  }
0x10: {  	[smem:$0x3FB6] =	sst s8  }
0x11: {  	[smem:$0x3FB7] =	sst s9;
	s0 =	simm.s32 @!p0 $0x0  }
0x12: {  	s1 =	sld [smem:$0x3F9D];
	s0 =	simm.s32 @p0 $0x1  }
0x13: {  	[smem:$0x3FB8] =	sst s0;
	s0 =	simm.s32 @!p1 $0x0  }
0x14: {  	s2 =	sld [smem:$0x3F9C];
	s0 =	simm.s32 @p1 $0x1  }
0x15: {  	[smem:$0x3FB9] =	sst s0;
	s0 =	simm.s32 @!p2 $0x0  }
0x16: {  	s3 =	sld [smem:$0x3FDB];
	s0 =	simm.s32 @p2 $0x1  }
0x17: {  	s4 =	simm.s32 $0x1BF5;
	[smem:$0x3FBB] =	sst s0  }
0x18: {  	s0 =	sld [smem:$0x3F9E];
	_ =	swait.ge [sflag:s4], $0x0  }
0x19: {  	s7 =	sld [smem:$0x3F9F]  }
0x1a: {  	s8 =	sadd.s32 $0xFFFFE003, lr  }
0x1b: {  	s9 =	sadd.s32 $0xFFFFFEF7, lr;
	s5 =	simm.s32 $0xFFFFFFFF;
	p2 =	slt.u32 s8, $0xFFFFF086  }
0x1c: {  	p1 =	slt.u32 s9, $0xF7A;
	s5 =	simm.s32 @!p2 $0x0  }
0x1d: {  	s5 =	simm.s32 @p1 $0x1;
	p0 =	seq.s32 s7, s2  }
0x1e: {  	s7 =	smul.u32 @!p0 $0xF7A, s2;
	p2 =	seq.s32 @!p0 s5, $0x0  }
0x1f: {  	s9 =	smul.u32 $0xF7A, s1;
	s8 =	simm.s32 @!p0 $0x1BF5;
	p2 =	por !p2, p0  }
0x20: {  	[sflag:s8] =	ssyncset.s32 @!p0 $0xFFFFF086;
	s6 =	sadd.s32 @!p0 s3, s7;
	s7 =	simm.s32 @!p0 $0x108  }
0x21: {  	s3 =	sadd.s32 s3, s9;
	s6 =	sadd.s32 @!p0 $0x88, s6;
	s7 =	simm.s32 @p2 $0x1082  }
0x22: {  	[simem:s7], [sflag:s8] =	dma.local @!p0 [hbm:s6], $0xF7A  }
0x23: {  	s9 =	sor.u32 $0xD0000000, s2;
	s6 =	simm.s32 $0x108;
	_ =	swait.ge @!p0 [sflag:s8], $0x0  }
0x24: {  	s3 =	sadd.s32 $0x88, s3;
	s6 =	simm.s32 @!p1 $0x1082;
	[sflag:s4] =	ssyncset.s32 $0xFFFFF086  }
0x25: {  	[simem:s6], [sflag:s4] =	dma.local [hbm:s3], $0xF7A  }
0x26: {  	[smem:$0x3F9F] =	sst s1;
	(tag) =	ssettag s2;
	_ =	strace s9  }
0x27: {  	s1 =	sld [smem:$0x3FAF]  }
0x28: {  	s2 =	sld [smem:$0x3FB0]  }
0x29: {  	s4 =	sld [smem:$0x3FB2]  }
0x2a: {  	p0 =	seq.s32 s5, $0x0;
	s5 =	sld [smem:$0x3FB3]  }
0x2b: {  	s6 =	sld [smem:$0x3FB4]  }
0x2c: {  	s7 =	sld [smem:$0x3FB5]  }
0x2d: {  	s3 =	simm.s32 $0x108;
	s8 =	sld [smem:$0x3FB6]  }
0x2e: {  	s3 =	simm.s32 @!p0 $0x1082;
	s9 =	sld [smem:$0x3FB7]  }
0x2f: {  	lr =	sadd.s32 s0, s3;
	s0 =	sld [smem:$0x3FAE]  }
0x30: {  	s3 =	sld [smem:$0x3FB1]  }
0x31: {  	[smem:$0x3FBA] =	sst s10  }
0x32: {  	s10 =	sld [smem:$0x3FB8];
	_ =	sdelay $0x3  }
0x33: {  	p0 =	seq.s32 s10, $0x1;
	s10 =	sld [smem:$0x3FBA];
	_ =	sdelay $0x3  }
0x34: {  	[smem:$0x3FBA] =	sst s10  }
0x35: {  	s10 =	sld [smem:$0x3FB9];
	_ =	sdelay $0x3  }
0x36: {  	p1 =	seq.s32 s10, $0x1;
	s10 =	sld [smem:$0x3FBA];
	_ =	sdelay $0x3  }
0x37: {  	[smem:$0x3FBA] =	sst s10  }
0x38: {  	s10 =	sld [smem:$0x3FBB]  }
0x39: {  	_ = 	snop;
	(pc) =	sbr.ind lr, $3  }
0x3a: {  	_ = 	snop  }
0x3b: {  	_ = 	snop  }
0x3c: {  	p2 =	seq.s32 s10, $0x1;
	s10 =	sld [smem:$0x3FBA]  }
0x3d: {  	_ =	shalt  }
0x3e: {  	_ =	shalt  }
0x3f: {  	_ =	shalt  }
0x40: {  	_ =	shalt  }
0x41: {  	_ =	shalt  }
0x42: {  	_ =	shalt  }
0x43: {  	_ =	shalt  }
0x44: {  	_ =	shalt  }
0x45: {  	_ =	shalt  }
0x46: {  	_ =	shalt  }
0x47: {  	_ =	shalt  }
0x48: {  	_ =	shalt  }
0x49: {  	_ =	shalt  }
0x4a: {  	_ =	shalt  }
0x4b: {  	_ =	shalt  }
0x4c: {  	_ =	shalt  }
0x4d: {  	_ =	shalt  }
0x4e: {  	_ =	shalt  }
0x4f: {  	_ =	shalt  }
0x50: {  	_ =	shalt  }
0x51: {  	_ =	shalt  }
0x52: {  	_ =	shalt  }
0x53: {  	_ =	shalt  }
0x54: {  	_ =	shalt  }
0x55: {  	_ =	shalt  }
0x56: {  	_ =	shalt  }
0x57: {  	_ =	shalt  }
0x58: {  	_ =	shalt  }
0x59: {  	_ =	shalt  }
0x5a: {  	_ =	shalt  }
0x5b: {  	_ =	shalt  }
0x5c: {  	_ =	shalt  }
0x5d: {  	_ =	shalt  }
0x5e: {  	_ =	shalt  }
0x5f: {  	_ =	shalt  }
0x60: {  	_ =	shalt  }
0x61: {  	_ =	shalt  }
0x62: {  	_ =	shalt  }
0x63: {  	_ =	shalt  }
0x64: {  	_ =	shalt  }
0x65: {  	_ =	shalt  }
0x66: {  	_ =	shalt  }
0x67: {  	_ =	shalt  }
0x68: {  	_ =	shalt  }
0x69: {  	_ =	shalt  }
0x6a: {  	_ =	shalt  }
0x6b: {  	_ =	shalt  }
0x6c: {  	_ =	shalt  }
0x6d: {  	_ =	shalt  }
0x6e: {  	_ =	shalt  }
0x6f: {  	_ =	shalt  }
0x70: {  	_ =	shalt  }
0x71: {  	_ =	shalt  }
0x72: {  	_ =	shalt  }
0x73: {  	_ =	shalt  }
0x74: {  	_ =	shalt  }
0x75: {  	_ =	shalt  }
0x76: {  	_ =	shalt  }
0x77: {  	_ =	shalt  }
0x78: {  	_ =	shalt  }
0x79: {  	_ =	shalt  }
0x7a: {  	_ =	shalt  }
0x7b: {  	_ =	shalt  }
0x7c: {  	_ =	shalt  }
0x7d: {  	_ =	shalt  }
0x7e: {  	_ =	shalt  }
0x7f: {  	_ =	shalt  }
0x80: {  	_ =	shalt  }
0x81: {  	_ =	shalt  }
0x82: {  	_ =	shalt  }
0x83: {  	_ =	shalt  }
0x84: {  	_ =	shalt  }
0x85: {  	_ =	shalt  }
0x86: {  	_ =	shalt  }
0x87: {  	_ =	shalt  }
.Lfunc_end0:
.L_simem_size_0:
called_computation_lowered:
.L_overlay_start_0:
0x88: {  	s0 =	sld [smem:$0x3FD9]  }
0x89: {  	s1 =	sld [smem:$0x3FFE];
	_ =	sdelay $0x3  }
0x8a: {  	s0 =	sadd.s32 s1, s0  }
0x8b: {  	[smem:$0x3FC6] =	sst s0  }
0x8c: {  	_ = 	snop  }
0x8d: {  	s0 =	sld [smem:$0x3FC8]  }
0x8e: {  	s16 =	sld [smem:$0x3FD0];
	(tm) =	ssettm $0x1  }
0x8f: {  	s2 =	sld [smem:$0x3FFB];
	_ =	sdelay $0x3  }
0x90: {  	_ =	strace s2  }
0x91: {  	s2 =	sld [smem:$0x3FFC];
	_ =	sdelay $0x3  }
0x92: {  	_ =	strace s2  }
0x93: {  	s2 =	sld [smem:$0x3FFD];
	_ =	sdelay $0x3  }
0x94: {  	_ =	strace s2  }
0x95: {  	_ =	strace $0x8FFFFFFF  }
0x96: {  	s17 =	sld [smem:$0x3FDB];
	_ =	sdelay $0x1  }
0x97: {  	s3 =	simm.s32 $_scs_section_size  }
0x98: {  	s4 =	simm.s32 $_size__tile_overlayer_lowered;
	s5 =	simm.s32 $_tile_overlayer_lowered  }
0x99: {  	s20 =	simm.s32 $0x1BFF;
	s19 =	sshll.u32 s5, $0x1;
	s2 =	sadd.s32 s3, s17  }
0x9a: {  	s6 =	simm.s32 $0x0;
	s18 =	sshll.u32 s4, $0x1;
	s4 =	sadd.s32 s19, s2  }
0x9b: {  	[timem:s6], [sflag:s20] =	dma.local [hbm:s4], s18  }
0x9c: {  	_ =	swait.ge [sflag:s20], s18  }
0x9d: {  	s3 =	ssub.s32 $0x0, s18;
	[sflag:s20] =	ssyncset.done $0x0  }
0x9e: {  	[sflag:s20] =	ssyncadd.s32 s3;
	_ =	sdelay $0x1  }
0x9f: {  	s21 =	simm.s32 $0x1B8B  }
0xa0: {  	_ =	swait.ge [sflag:s21], $0x1  }
0xa1: {  	[sflag:s21] =	ssyncset.done $0x0  }
0xa2: {  	s23 =	simm.s32 $0x1B8E;
	s22 =	sld [smem:$0x3FFE];
	[sflag:s21] =	ssyncadd.s32 $0xFFFFFFFF  }
0xa3: {  	s24 =	simm.s32 $execute0_lowered;
	[smem:$0x3FD2] =	sst s23  }
0xa4: {  	s4 =	sshll.u32 s24, $0x1;
	_ =	strace $0x80000046;
	[dreg:$0x1] =	wrdreg $0xFFFFFFFF  }
0xa5: {  	s25 =	simm.s32 $_size_execute0_lowered;
	s2 =	sadd.s32 s2, s4;
	[dreg:$0x0] =	wrdreg $0x0  }
0xa6: {  	s4 =	sshll.u32 s25, $0x1;
	[dreg:$0x2] =	wrdreg s2  }
0xa7: {  	[dreg:$0x3] =	wrdreg s4  }
0xa8: {  	[dreg:$0x4] =	wrdreg $0xC0  }
0xa9: {  	_ =	task [dreg:s6], $0x5FFFF  }
0xaa: {  	[dreg:$0x1] =	wrdreg $0xFFFFFFFF  }
0xab: {  	[dreg:$0x0] =	wrdreg $0x60  }
0xac: {  	[dreg:$0x2] =	wrdreg s22  }
0xad: {  	[dreg:$0x3] =	wrdreg s0  }
0xae: {  	[dreg:$0x4] =	wrdreg s16  }
0xaf: {  	[dreg:$0x5] =	wrdreg $0x9  }
0xb0: {  	_ =	task.clear_ibuf [dreg:s6], $0x6FFFF;
	_ =	strace $0x90000046  }
0xb1: {  	s26 =	simm.s32 $0x9;
	_ =	strace $0x80000048  }
0xb2: {  	_ =	swait.ge [sflag:s26], $0x1  }
0xb3: {  	[sflag:s26] =	ssyncadd.s32 $0xFFFFFFFF  }
0xb4: {  	_ =	strace $0x90000048  }
0xb5: {  	_ =	sfence  }
0xb6: {  	s28 =	sld [smem:$0x0];
	_ =	sdelay $0x1  }
0xb7: {  	s29 =	srdreg.scid  }
0xb8: {  	s30 =	sshll.u32 s29, $0xD;
	s31 =	sshrl.u32 s29, $0x2  }
0xb9: {  	s1 =	sand.u32 $0x1, s29;
	s2 =	sand.u32 $0x4000, s30;
	s0 =	sadd.s32 s31, s28  }
0xba: {  	s1 =	sor.u32 s2, s1;
	s0 =	sshll.u32 s0, $0x11  }
0xbb: {  	s0 =	sor.u32 s0, s1  }
0xbc: {  	s0 =	sadd.s32 $0x8F2B, s0  }
0xbd: {  	[sflag:s0] =	ssyncadd.remote.s32 $0x1  }
0xbe: {  	_ =	sfence.sel $0xFFFF  }
0xbf: {  	[dreg:$0x0] =	wrdreg $0xFFFFFFFF;
	(pc) =	sbr.abs _section_cstart, $3  }
0xc0: {  	[dreg:$0x1] =	wrdreg $0xFFFFFFFF  }
0xc1: {  	_ =	task.clear_ibuf [dreg:s6], $0x2FFFF;
	_ =	strace $0x9FFFFFFF  }
0xc2: {  	(tm) =	ssettm $0x7FFFFFFF  }
0xc3: {  	_ =	shalt  }
tec
execute0_lowered:
.L_overlay_start_1:
0x0: {  	(tag) =	ssettag $0x1  }
0x1: {  	s3 =	stileid.u32  }
0x2: {  	p0 =	sne.s32 s3, $0x0  }
.Ltmp0:
0x3: {  	_ = 	snop;
	(pc) =	sbr.rel @p0 .LBB2_2-.Ltmp0, $4  }
0x4: {  	s5 =	rddreg [dreg:$0x0]  }
0x5: {  	s2 =	rddreg [dreg:$0x1]  }
0x6: {  	s1 =	rddreg [dreg:$0x2]  }
0x7: {  	s0 =	rddreg [dreg:$0x3];
	_ =	strace $0x80000047  }
0x8: {  	s3 =	simm.s32 $0x0;
	s29 =	simm.s32 $0x2  }
0x9: {  	[tilespmem:s3], [sflag:$0x2] =	stream.linear.gather [hbm4b:s2+s3], $0x80, $0x38;
	[tilespmem:$0x600] =	vst v63  }
0xa: {  	_ =	swait.ge [sflag:s29], $0x80  }
0xb: {  	[sflag:s29] =	ssyncset.done $0x0  }
0xc: {  	[sflag:s29] =	ssyncadd.s32 $0xFFFFFF80  }
0xd: {  	v0 =	vld [tilespmem:$0x0];
	_ =	sdelay $0x6  }
0xe: {  	v1 =	vimm.f32 $0.0e+00;
	s4 =	simm.s32 $0x180  }
0xf: {  	[tilespmem:v0+s4+$0x0] =	vst.idx.msk $0xffff, v1  }
0x10: {  	v2 =	vld [tilespmem:$0x10];
	_ =	sdelay $0x2  }
0x11: {  	v3 =	vlaneseq.u32  }
0x12: {  	v3 =	vmul.u32 $0x3E8, v3;
	_ =	sdelay $0x1  }
0x13: {  	v0 =	vadd.s32 v3, v0  }
0x14: {  	[tilespmem:$0x80] =	vst v0  }
0x15: {  	[tilespmem:v2+s4+$0x0] =	vst.idx.msk $0xffff, v1  }
0x16: {  	v34 =	vld [tilespmem:$0x20];
	_ =	sdelay $0x4  }
0x17: {  	v4 =	vadd.s32 $0x3E80, v3  }
0x18: {  	v2 =	vadd.s32 v4, v2  }
0x19: {  	[tilespmem:$0x90] =	vst v2  }
0x1a: {  	[tilespmem:v34+s4+$0x0] =	vst.idx.msk $0xffff, v1  }
0x1b: {  	v35 =	vld [tilespmem:$0x30];
	_ =	sdelay $0x4  }
0x1c: {  	v36 =	vadd.s32 $0x7D00, v3  }
0x1d: {  	v0 =	vadd.s32 v36, v34  }
0x1e: {  	[tilespmem:$0xA0] =	vst v0  }
0x1f: {  	[tilespmem:v35+s4+$0x0] =	vst.idx.msk $0xffff, v1  }
0x20: {  	v37 =	vld [tilespmem:$0x40];
	_ =	sdelay $0x4  }
0x21: {  	v38 =	vadd.s32 $0xBB80, v3  }
0x22: {  	v2 =	vadd.s32 v38, v35  }
0x23: {  	[tilespmem:$0xB0] =	vst v2  }
0x24: {  	[tilespmem:v37+s4+$0x0] =	vst.idx.msk $0xffff, v1  }
0x25: {  	v39 =	vld [tilespmem:$0x50];
	_ =	sdelay $0x4  }
0x26: {  	v40 =	vadd.s32 $0xFA00, v3  }
0x27: {  	v0 =	vadd.s32 v40, v37  }
0x28: {  	[tilespmem:$0xC0] =	vst v0  }
0x29: {  	[tilespmem:v39+s4+$0x0] =	vst.idx.msk $0xffff, v1  }
0x2a: {  	v41 =	vld [tilespmem:$0x60];
	_ =	sdelay $0x4  }
0x2b: {  	v42 =	vadd.s32 $0x13880, v3  }
0x2c: {  	v2 =	vadd.s32 v42, v39  }
0x2d: {  	[tilespmem:$0xD0] =	vst v2  }
0x2e: {  	[tilespmem:v41+s4+$0x0] =	vst.idx.msk $0xffff, v1  }
0x2f: {  	v43 =	vld [tilespmem:$0x70];
	_ =	sdelay $0x4  }
0x30: {  	v44 =	vadd.s32 $0x17700, v3  }
0x31: {  	v0 =	vadd.s32 v44, v41  }
0x32: {  	v45 =	vadd.s32 $0x1B580, v3;
	[tilespmem:$0xE0] =	vst v0  }
0x33: {  	v0 =	vadd.s32 v45, v43;
	[tilespmem:v43+s4+$0x0] =	vst.idx.msk $0xffff, v1  }
0x34: {  	s5 =	sadd.s32 $0x400, s5;
	s6 =	simm.s32 $0x80;
	s7 =	simm.s32 $0x100;
	[tilespmem:$0xF0] =	vst v0  }
0x35: {  	[tilespmem:s7], [sflag:$0x1] =	stream.indirect.gather [hbm4b:s5+s6], $0x1, s6, s6, $0xb8;
	[tilespmem:$0x600] =	vst v63  }
0x36: {  	v46 =	vld [tilespmem:$0x0];
	_ =	sdelay $0x6  }
0x37: {  	v47 =	vimm.f32 $1.000000000e+00  }
0x38: {  	[tilespmem:v46+s4+$0x0] =	vst.idx.add.f32.msk $0xffff, v47  }
0x39: {  	v0 =	vld [tilespmem:$0x10];
	_ =	sdelay $0x7  }
0x3a: {  	[tilespmem:v0+s4+$0x0] =	vst.idx.add.f32.msk $0xffff, v47  }
0x3b: {  	v0 =	vld [tilespmem:$0x20];
	_ =	sdelay $0x7  }
0x3c: {  	[tilespmem:v0+s4+$0x0] =	vst.idx.add.f32.msk $0xffff, v47  }
0x3d: {  	v0 =	vld [tilespmem:$0x30];
	_ =	sdelay $0x7  }
0x3e: {  	[tilespmem:v0+s4+$0x0] =	vst.idx.add.f32.msk $0xffff, v47  }
0x3f: {  	v0 =	vld [tilespmem:$0x40];
	_ =	sdelay $0x7  }
0x40: {  	[tilespmem:v0+s4+$0x0] =	vst.idx.add.f32.msk $0xffff, v47  }
0x41: {  	v0 =	vld [tilespmem:$0x50];
	_ =	sdelay $0x7  }
0x42: {  	[tilespmem:v0+s4+$0x0] =	vst.idx.add.f32.msk $0xffff, v47  }
0x43: {  	v0 =	vld [tilespmem:$0x60];
	_ =	sdelay $0x7  }
0x44: {  	[tilespmem:v0+s4+$0x0] =	vst.idx.add.f32.msk $0xffff, v47  }
0x45: {  	v0 =	vld [tilespmem:$0x70];
	_ =	sdelay $0x7  }
0x46: {  	s30 =	simm.s32 $0x1;
	[tilespmem:v0+s4+$0x0] =	vst.idx.add.f32.msk $0xffff, v47  }
0x47: {  	_ =	swait.ge [sflag:s30], $0x80  }
0x48: {  	[sflag:s30] =	ssyncset.done $0x0  }
0x49: {  	[sflag:s30] =	ssyncadd.s32 $0xFFFFFF80  }
0x4a: {  	v48 =	vld [tilespmem:$0x0]  }
0x4b: {  	v49 =	vld [tilespmem:$0x10]  }
0x4c: {  	v50 =	vld [tilespmem:$0x20]  }
0x4d: {  	v51 =	vld [tilespmem:$0x100]  }
0x4e: {  	v52 =	vld [tilespmem:$0x30]  }
0x4f: {  	v5 =	vld [tilespmem:$0x110]  }
0x50: {  	v6 =	vld [tilespmem:$0x40]  }
0x51: {  	v7 =	vld [tilespmem:$0x50]  }
0x52: {  	v8 =	vld [tilespmem:$0x120]  }
0x53: {  	v0 =	vld.idx.msk [tilespmem:v48+s4+$0x0], $0xffff  }
0x54: {  	v9 =	vld [tilespmem:$0x60]  }
0x55: {  	v1 =	vld.idx.msk [tilespmem:v49+s4+$0x0], $0xffff  }
0x56: {  	v10 =	vld [tilespmem:$0x70]  }
0x57: {  	v2 =	vld.idx.msk [tilespmem:v50+s4+$0x0], $0xffff  }
0x58: {  	v11 =	vld [tilespmem:$0x130];
	v3 =	vmul.f32 v51, v0  }
0x59: {  	v4 =	vld.idx.msk [tilespmem:v52+s4+$0x0], $0xffff  }
0x5a: {  	v12 =	vld [tilespmem:$0x140];
	v5 =	vmul.f32 v5, v1;
	v3 =	vadd.f32 $0.0e+00, v3  }
0x5b: {  	v6 =	vld.idx.msk [tilespmem:v6+s4+$0x0], $0xffff;
	v0 =	vadd.f32 $0.0e+00, v0  }
0x5c: {  	v54 =	vld [tilespmem:$0x150];
	v53 =	vmul.f32 v8, v2;
	v3 =	vadd.f32 v5, v3  }
0x5d: {  	v7 =	vld.idx.msk [tilespmem:v7+s4+$0x0], $0xffff;
	v0 =	vadd.f32 v1, v0  }
0x5e: {  	v57 =	vld [tilespmem:$0x160];
	v55 =	vmul.f32 v11, v4;
	v3 =	vadd.f32 v53, v3  }
0x5f: {  	v56 =	vld.idx.msk [tilespmem:v9+s4+$0x0], $0xffff;
	v0 =	vadd.f32 v2, v0  }
0x60: {  	v60 =	vld [tilespmem:$0x170];
	v58 =	vmul.f32 v12, v6;
	v3 =	vadd.f32 v55, v3  }
0x61: {  	v59 =	vld.idx.msk [tilespmem:v10+s4+$0x0], $0xffff;
	v0 =	vadd.f32 v4, v0  }
0x62: {  	v1 =	vmul.f32 v54, v7;
	v3 =	vadd.f32 v58, v3  }
0x63: {  	v0 =	vadd.f32 v6, v0  }
0x64: {  	v2 =	vmul.f32 v57, v56;
	v1 =	vadd.f32 v1, v3  }
0x65: {  	v0 =	vadd.f32 v7, v0  }
0x66: {  	v61 =	vmul.f32 v60, v59;
	v1 =	vadd.f32 v2, v1  }
0x67: {  	v0 =	vadd.f32 v56, v0  }
0x68: {  	v1 =	vadd.f32 v61, v1  }
0x69: {  	v0 =	vadd.f32 v59, v0  }
0x6a: {  	(xrf2) =	vadd.scan.msk.f32 $0xffff, v1  }
0x6b: {  	(xrf2) =	vadd.scan.msk.f32 $0xffff, v0;
	_ =	sdelay $0x8  }
0x6c: {  	v62, _, _ =	vpop (xrf2)  }
0x6d: {  	v63, _, _ =	vpop (xrf2)  }
0x6e: {  	v1 =	vbroadcast v63, $0xF;
	_ =	sdelay $0x1  }
0x6f: {  	(erf) = vrcp.f32 v1;
	_ =	sdelay $0x7  }
0x70: {  	v0 =	vbroadcast v62, $0xF  }
0x71: {  	v1 =	vpop (erf)  }
0x72: {  	v0 =	vmul.f32 v0, v1;
	_ =	sdelay $0x1  }
0x73: {  	v0 =	vsub.f32 $0.0e+00, v0;
	_ =	sdelay $0x1  }
0x74: {  	s31 =	simm.s32 $0x580;
	[tilespmem:$0x580] =	vst v0  }
0x75: {  	[hbm4b:s1+s3] =	stream.linear.scatter [tilespmem:s31], [sflag:$0x2], $0x80, $0x38;
	[tilespmem:$0x600] =	vst v63  }
0x76: {  	_ =	swait.ge [sflag:s29], $0x80  }
0x77: {  	[sflag:s29] =	ssyncset.done $0x0  }
0x78: {  	[sflag:s29] =	ssyncadd.s32 $0xFFFFFF80  }
.LBB2_2:
0x79: {  	_ =	sfence.sel $0x180000  }
0x7a: {  	[bflag:$0x0] =	sbarrier.arrive $0xFFFF  }
0x7b: {  	_ =	strace $0x90000047  }
0x7c: {  	s0 =	sadd.s32 @!p0 $0x100000, s0;
	[bflag:$0x2] =	sbarrier.arrive $0xFFFF  }
0x7d: {  	[sflag:s0] =	ssyncadd.tile.s32 @!p0 $0x1;
	_ =	shalt  }
.Lfunc_end2:
_tile_overlayer_lowered:
.L_overlay_start_2:
0x7e: {  	(tag) =	ssettag $0x2  }
0x7f: {  	s0 =	rddreg [dreg:$0x0];
	s2 =	stileid.u32  }
0x80: {  	s1 =	rddreg [dreg:$0x1];
	p0 =	sne.s32 s2, $0x0  }
0x81: {  	s3 =	rddreg [dreg:$0x2];
	[bflag:$0x3] =	sbarrier.arrive $0xFFFF;
	s2 =	simm.s32 @!p0 $0x1C02  }
0x82: {  	[timem:s3], [sflag:s2] =	dma.local @!p0 [hbm:s0], s1  }
0x83: {  	s0 =	simm.s32 @!p0 $0x2  }
0x84: {  	_ =	swait.ge @!p0 [sflag:s0], s1  }
0x85: {  	s1 =	ssub.s32 @!p0 $0x0, s1;
	[sflag:s0] =	ssyncset.done @!p0 $0x0  }
0x86: {  	[sflag:s0] =	ssyncadd.s32 @!p0 s1  }
0x87: {  	[bflag:$0x3] =	sbarrier.arrive $0xFFFF  }
0x88: {  	_ =	shalt  }

</sc_bundles>
